<compile_context>
chip_gen: v7x
topology: tpu7x:2x2x1
jax: 0.10.2.dev20260603
libtpu: 0.0.44.dev20260713+nightly
codegen_flags: <defaults>
</compile_context>

<pallas_src>
import jax
import jax.numpy as jnp
from jax.experimental import pallas as pl


def _params_body(z_ref, gw_ref, bw_ref, bg_ref, bb_ref, bm_ref, bv_ref,
                 scale_ref, bias_ref):
    eps = 1e-3
    a = bg_ref[...] * jax.lax.rsqrt(bv_ref[...] + eps)
    c0 = bb_ref[...] - bm_ref[...] * a
    g = jnp.dot(z_ref[...], gw_ref[...],
                preferred_element_type=jnp.float32)
    bb = jnp.dot(z_ref[...], bw_ref[...],
                 preferred_element_type=jnp.float32)
    onepg = 1.0 + g
    scale = a * onepg
    bias = c0 * onepg + bb
    scale_ref[...] = jnp.broadcast_to(scale[:, None, :], scale_ref.shape)
    bias_ref[...] = jnp.broadcast_to(bias[:, None, :], bias_ref.shape)


def _apply_body(scale_ref, bias_ref, x_ref, o_ref):
    o_ref[...] = x_ref[...] * scale_ref[...] + bias_ref[...]


def kernel(x, z, bn_gamma, bn_beta, bn_mean, bn_var, gamma_w, beta_w):
    B, H, W, C = x.shape
    WC = W * C
    BH = 56

    scale3, bias3 = pl.pallas_call(
        _params_body,
        out_shape=[
            jax.ShapeDtypeStruct((B, W, C), jnp.float32),
            jax.ShapeDtypeStruct((B, W, C), jnp.float32),
        ],
    )(z, gamma_w, beta_w,
      bn_gamma.reshape(1, C), bn_beta.reshape(1, C),
      bn_mean.reshape(1, C), bn_var.reshape(1, C))

    scale2 = scale3.reshape(B, 1, WC)
    bias2 = bias3.reshape(B, 1, WC)
    x2 = x.reshape(B, H, WC)

    out2 = pl.pallas_call(
        _apply_body,
        grid=(B, H // BH),
        in_specs=[
            pl.BlockSpec((1, 1, WC), lambda b, h: (b, 0, 0)),
            pl.BlockSpec((1, 1, WC), lambda b, h: (b, 0, 0)),
            pl.BlockSpec((1, BH, WC), lambda b, h: (b, h, 0)),
        ],
        out_specs=pl.BlockSpec((1, BH, WC), lambda b, h: (b, h, 0)),
        out_shape=jax.ShapeDtypeStruct((B, H, WC), jnp.float32),
    )(scale2, bias2, x2)

    return out2.reshape(B, H, W, C)

# --- scband reference (transcript-rebuilt; emitter-appended) ---
"""Pipeline reference for scband-cluster-scale-bias-block-54915451847279 (READ-ONLY COPY).

The authoritative reference and input builder live on the scoring server;
editing this copy changes nothing except your own understanding.
"""

import jax, jax.numpy as jnp
import numpy as np


def setup_inputs(seed: int = 0) -> dict:
    key = jax.random.key(seed)
    ks = jax.random.split(key, 4)
    B, H, W, C = 4, 224, 224, 96
    n_clusters = 128
    x = jax.random.normal(ks[0], (B, H, W, C), dtype=jnp.float32)
    # z is the cluster-membership design matrix (one-hot in the original use;
    # harness fills with rand -- the matmul math is identical)
    z = jax.random.uniform(ks[1], (B, n_clusters), dtype=jnp.float32)
    # BatchNormalization inference-mode parameters (Keras defaults)
    bn_gamma = jnp.ones((C,), dtype=jnp.float32)
    bn_beta = jnp.zeros((C,), dtype=jnp.float32)
    bn_mean = jnp.zeros((C,), dtype=jnp.float32)
    bn_var = jnp.ones((C,), dtype=jnp.float32)
    # RandomEffects posterior-mean kernels (the deterministic inference path
    # uses the first half of the DenseVariational weight vector reshaped to
    # [prev_units, units] = [n_clusters, n_features]); init ~ N(0, 0.25)
    gamma_w = jax.random.normal(ks[2], (n_clusters, C), dtype=jnp.float32) * 0.25
    beta_w = jax.random.normal(ks[3], (n_clusters, C), dtype=jnp.float32) * 0.25
    return {"x": x, "z": z, "bn_gamma": bn_gamma, "bn_beta": bn_beta,
            "bn_mean": bn_mean, "bn_var": bn_var,
            "gamma_w": gamma_w, "beta_w": beta_w}


def reference(x, z, bn_gamma, bn_beta, bn_mean, bn_var, gamma_w, beta_w):
    # BatchNormalization, inference mode (Keras epsilon default 1e-3)
    eps = 1e-3
    x_norm = (x - bn_mean) / jnp.sqrt(bn_var + eps) * bn_gamma + bn_beta
    # RandomEffects (training=False path): g = z @ kernel, b = z @ kernel
    g = jnp.matmul(z, gamma_w)  # [B, C]
    b = jnp.matmul(z, beta_w)   # [B, C]
    # x has rank 4 (> 2): broadcast cluster effects over spatial dims
    C = x.shape[-1]
    g = g.reshape((-1, 1, 1, C))
    b = b.reshape((-1, 1, 1, C))
    m = x_norm * (1.0 + g)
    s = m + b
    return s

if __name__ == "__main__":
    import jax
    _d = setup_inputs()
    print(jax.jit(kernel)(*tuple(_d.values())))

</pallas_src>

<mosaic_0001>
module attributes {stable_mosaic.version = 14 : i64} {
  func.func @_params_body(%arg0: memref<4x128xf32, #tpu.memory_space<vmem>>, %arg1: memref<128x96xf32, #tpu.memory_space<vmem>>, %arg2: memref<128x96xf32, #tpu.memory_space<vmem>>, %arg3: memref<1x96xf32, #tpu.memory_space<vmem>>, %arg4: memref<1x96xf32, #tpu.memory_space<vmem>>, %arg5: memref<1x96xf32, #tpu.memory_space<vmem>>, %arg6: memref<1x96xf32, #tpu.memory_space<vmem>>, %arg7: memref<4x224x96xf32, #tpu.memory_space<vmem>>, %arg8: memref<4x224x96xf32, #tpu.memory_space<vmem>>) attributes {dimension_semantics = [], scalar_prefetch = 0 : i64, scratch_operands = 0 : i64, tpu.core_type = #tpu.core_type<tc>} {
    %get3A = arith.constant 0 : index
    %get3A_0 = arith.constant 0 : index
    %get3A_1 = vector.load %arg3[%get3A, %get3A_0] : memref<1x96xf32, #tpu.memory_space<vmem>>, vector<1x96xf32>
    %get3A_2 = arith.constant 0 : index
    %get3A_3 = arith.constant 0 : index
    %get3A_4 = vector.load %arg6[%get3A_2, %get3A_3] : memref<1x96xf32, #tpu.memory_space<vmem>>, vector<1x96xf32>
    %add3A = arith.constant 1.000000e-03 : f32
    %add3A_5 = vector.broadcast %add3A : f32 to vector<1x96xf32>
    %add3A_6 = arith.addf %get3A_4, %add3A_5 : vector<1x96xf32>
    %rsqrt3A = math.rsqrt %add3A_6 : vector<1x96xf32>
    %mul3A = arith.mulf %get3A_1, %rsqrt3A : vector<1x96xf32>
    %get3A_7 = arith.constant 0 : index
    %get3A_8 = arith.constant 0 : index
    %get3A_9 = vector.load %arg4[%get3A_7, %get3A_8] : memref<1x96xf32, #tpu.memory_space<vmem>>, vector<1x96xf32>
    %get3A_10 = arith.constant 0 : index
    %get3A_11 = arith.constant 0 : index
    %get3A_12 = vector.load %arg5[%get3A_10, %get3A_11] : memref<1x96xf32, #tpu.memory_space<vmem>>, vector<1x96xf32>
    %mul3A_13 = arith.mulf %get3A_12, %mul3A : vector<1x96xf32>
    %sub3A = arith.subf %get3A_9, %mul3A_13 : vector<1x96xf32>
    %get3A_14 = arith.constant 0 : index
    %get3A_15 = arith.constant 0 : index
    %get3A_16 = vector.load %arg0[%get3A_14, %get3A_15] : memref<4x128xf32, #tpu.memory_space<vmem>>, vector<4x128xf32>
    %get3A_17 = arith.constant 0 : index
    %get3A_18 = arith.constant 0 : index
    %get3A_19 = vector.load %arg1[%get3A_17, %get3A_18] : memref<128x96xf32, #tpu.memory_space<vmem>>, vector<128x96xf32>
    %dot_general3A = arith.constant dense<0.000000e+00> : vector<4x96xf32>
    %dot_general3A_20 = tpu.matmul %get3A_16, %get3A_19, %dot_general3A {dimension_numbers = #tpu.dot_dimension_numbers<[1], [0], [0], [1], [0, 0, 1, 1], [], []>, transpose_lhs_hint = false} : vector<4x128xf32>, vector<128x96xf32>, vector<4x96xf32> -> vector<4x96xf32>
    %get3A_21 = arith.constant 0 : index
    %get3A_22 = arith.constant 0 : index
    %get3A_23 = vector.load %arg0[%get3A_21, %get3A_22] : memref<4x128xf32, #tpu.memory_space<vmem>>, vector<4x128xf32>
    %get3A_24 = arith.constant 0 : index
    %get3A_25 = arith.constant 0 : index
    %get3A_26 = vector.load %arg2[%get3A_24, %get3A_25] : memref<128x96xf32, #tpu.memory_space<vmem>>, vector<128x96xf32>
    %dot_general3A_27 = arith.constant dense<0.000000e+00> : vector<4x96xf32>
    %dot_general3A_28 = tpu.matmul %get3A_23, %get3A_26, %dot_general3A_27 {dimension_numbers = #tpu.dot_dimension_numbers<[1], [0], [0], [1], [0, 0, 1, 1], [], []>, transpose_lhs_hint = false} : vector<4x128xf32>, vector<128x96xf32>, vector<4x96xf32> -> vector<4x96xf32>
    %add3A_29 = arith.constant 1.000000e+00 : f32
    %add3A_30 = vector.broadcast %add3A_29 : f32 to vector<4x96xf32>
    %add3A_31 = arith.addf %add3A_30, %dot_general3A_20 : vector<4x96xf32>
    %mul3A_32 = vector.broadcast %mul3A : vector<1x96xf32> to vector<4x96xf32>
    %mul3A_33 = arith.mulf %mul3A_32, %add3A_31 : vector<4x96xf32>
    %mul3A_34 = vector.broadcast %sub3A : vector<1x96xf32> to vector<4x96xf32>
    %mul3A_35 = arith.mulf %mul3A_34, %add3A_31 : vector<4x96xf32>
    %add3A_36 = arith.addf %mul3A_35, %dot_general3A_28 : vector<4x96xf32>
    %broadcast_in_dim3A = vector.shape_cast %mul3A_33 : vector<4x96xf32> to vector<4x1x96xf32>
    %broadcast_in_dim3A_37 = vector.shape_cast %broadcast_in_dim3A : vector<4x1x96xf32> to vector<4x1x96xf32>
    %broadcast_in_dim3A_38 = vector.broadcast %broadcast_in_dim3A_37 : vector<4x1x96xf32> to vector<4x224x96xf32>
    %swap3A = arith.constant 0 : index
    %swap3A_39 = arith.constant 0 : index
    %swap3A_40 = arith.constant 0 : index
    %swap3A_41 = vector.load %arg7[%swap3A, %swap3A_39, %swap3A_40] : memref<4x224x96xf32, #tpu.memory_space<vmem>>, vector<4x224x96xf32>
    tpu.vector_store %arg7[%swap3A, %swap3A_39, %swap3A_40], %broadcast_in_dim3A_38 {strides = array<i32>} : memref<4x224x96xf32, #tpu.memory_space<vmem>>, vector<4x224x96xf32>,
    %broadcast_in_dim3A_42 = vector.shape_cast %add3A_36 : vector<4x96xf32> to vector<4x1x96xf32>
    %broadcast_in_dim3A_43 = vector.shape_cast %broadcast_in_dim3A_42 : vector<4x1x96xf32> to vector<4x1x96xf32>
    %broadcast_in_dim3A_44 = vector.broadcast %broadcast_in_dim3A_43 : vector<4x1x96xf32> to vector<4x224x96xf32>
    %swap3A_45 = arith.constant 0 : index
    %swap3A_46 = arith.constant 0 : index
    %swap3A_47 = arith.constant 0 : index
    %swap3A_48 = vector.load %arg8[%swap3A_45, %swap3A_46, %swap3A_47] : memref<4x224x96xf32, #tpu.memory_space<vmem>>, vector<4x224x96xf32>
    tpu.vector_store %arg8[%swap3A_45, %swap3A_46, %swap3A_47], %broadcast_in_dim3A_44 {strides = array<i32>} : memref<4x224x96xf32, #tpu.memory_space<vmem>>, vector<4x224x96xf32>,
    return
  }
}

module attributes {stable_mosaic.version = 14 : i64} {
  func.func @_apply_body(%arg0: i32, %arg1: i32, %arg2: memref<1x1x21504xf32, #tpu.memory_space<vmem>>, %arg3: memref<1x1x21504xf32, #tpu.memory_space<vmem>>, %arg4: memref<1x56x21504xf32, #tpu.memory_space<vmem>>, %arg5: memref<1x56x21504xf32, #tpu.memory_space<vmem>>) attributes {dimension_semantics = [#tpu.dimension_semantics<arbitrary>, #tpu.dimension_semantics<arbitrary>], iteration_bounds = array<i64: 4, 4>, scalar_prefetch = 0 : i64, scratch_operands = 0 : i64, tpu.core_type = #tpu.core_type<tc>, window_params = [{transform_indices = @transform_0, window_bounds = array<i64: 1, 1, 21504>}, {transform_indices = @transform_1, window_bounds = array<i64: 1, 1, 21504>}, {transform_indices = @transform_2, window_bounds = array<i64: 1, 56, 21504>}, {transform_indices = @transform_3, window_bounds = array<i64: 1, 56, 21504>}]} {
    %get3A = arith.constant 0 : index
    %get3A_0 = arith.constant 0 : index
    %get3A_1 = arith.constant 0 : index
    %get3A_2 = vector.load %arg4[%get3A, %get3A_0, %get3A_1] : memref<1x56x21504xf32, #tpu.memory_space<vmem>>, vector<1x56x21504xf32>
    %get3A_3 = arith.constant 0 : index
    %get3A_4 = arith.constant 0 : index
    %get3A_5 = arith.constant 0 : index
    %get3A_6 = vector.load %arg2[%get3A_3, %get3A_4, %get3A_5] : memref<1x1x21504xf32, #tpu.memory_space<vmem>>, vector<1x1x21504xf32>
    %mul3A = vector.broadcast %get3A_6 : vector<1x1x21504xf32> to vector<1x56x21504xf32>
    %mul3A_7 = arith.mulf %get3A_2, %mul3A : vector<1x56x21504xf32>
    %get3A_8 = arith.constant 0 : index
    %get3A_9 = arith.constant 0 : index
    %get3A_10 = arith.constant 0 : index
    %get3A_11 = vector.load %arg3[%get3A_8, %get3A_9, %get3A_10] : memref<1x1x21504xf32, #tpu.memory_space<vmem>>, vector<1x1x21504xf32>
    %add3A = vector.broadcast %get3A_11 : vector<1x1x21504xf32> to vector<1x56x21504xf32>
    %add3A_12 = arith.addf %mul3A_7, %add3A : vector<1x56x21504xf32>
    %swap3A = arith.constant 0 : index
    %swap3A_13 = arith.constant 0 : index
    %swap3A_14 = arith.constant 0 : index
    %swap3A_15 = vector.load %arg5[%swap3A, %swap3A_13, %swap3A_14] : memref<1x56x21504xf32, #tpu.memory_space<vmem>>, vector<1x56x21504xf32>
    tpu.vector_store %arg5[%swap3A, %swap3A_13, %swap3A_14], %add3A_12 {strides = array<i32>} : memref<1x56x21504xf32, #tpu.memory_space<vmem>>, vector<1x56x21504xf32>,
    return
  }
  func.func @transform_0(%arg0: i32, %arg1: i32) -> (i32, i32, i32) {
    %c0_i32 = arith.constant 0 : i32
    %c0_i32_0 = arith.constant 0 : i32
    %c0_i32_1 = arith.constant 0 : i32
    return %arg0, %c0_i32, %c0_i32_0 : i32, i32, i32
  }
  func.func @transform_1(%arg0: i32, %arg1: i32) -> (i32, i32, i32) {
    %c0_i32 = arith.constant 0 : i32
    %c0_i32_0 = arith.constant 0 : i32
    %c0_i32_1 = arith.constant 0 : i32
    return %arg0, %c0_i32, %c0_i32_0 : i32, i32, i32
  }
  func.func @transform_2(%arg0: i32, %arg1: i32) -> (i32, i32, i32) {
    %c0_i32 = arith.constant 0 : i32
    %c0_i32_0 = arith.constant 0 : i32
    return %arg0, %arg1, %c0_i32 : i32, i32, i32
  }
  func.func @transform_3(%arg0: i32, %arg1: i32) -> (i32, i32, i32) {
    %c0_i32 = arith.constant 0 : i32
    %c0_i32_0 = arith.constant 0 : i32
    return %arg0, %arg1, %c0_i32 : i32, i32, i32
  }
}

</mosaic_0001>

<sc_bundles>
// kernel: sparse-core-data-format-call.cloned.1.call-start
scs
called_computation_lowered:
.L_overlay_start_0:
0x0: {  	s2 =	sld [smem:$0x3FD9]  }
0x1: {  	s3 =	sld [smem:$0x3FFE];
	_ =	sdelay $0x1  }
0x2: {  	s1 =	srdreg.scid  }
0x3: {  	s0 =	sand.u32 $0x1, s1  }
0x4: {  	s18 =	sshll.u32 s0, $0xA;
	s2 =	sadd.s32 s3, s2  }
0x5: {  	s2 =	sadd.s32 s2, s18  }
0x6: {  	[smem:$0x3FC0] =	sst s2  }
0x7: {  	_ = 	snop  }
0x8: {  	s2 =	sld [smem:$0x3FD0];
	(tm) =	ssettm $0x1  }
0x9: {  	s19 =	sld [smem:$0x3FFB];
	_ =	sdelay $0x3  }
0xa: {  	_ =	strace s19  }
0xb: {  	s3 =	sld [smem:$0x3FFC];
	_ =	sdelay $0x3  }
0xc: {  	_ =	strace s3  }
0xd: {  	s3 =	sld [smem:$0x3FFD];
	_ =	sdelay $0x3  }
0xe: {  	_ =	strace s3  }
0xf: {  	_ =	strace $0x8FFFFFFF  }
0x10: {  	s20 =	sld [smem:$0x3FDB];
	_ =	sdelay $0x1  }
0x11: {  	s4 =	simm.s32 $_scs_section_size  }
0x12: {  	s5 =	simm.s32 $_size__tile_overlayer_lowered;
	s6 =	simm.s32 $_tile_overlayer_lowered  }
0x13: {  	s23 =	simm.s32 $0x1BFF;
	s22 =	sshll.u32 s6, $0x1;
	s3 =	sadd.s32 s4, s20  }
0x14: {  	s7 =	simm.s32 $0x0;
	s21 =	sshll.u32 s5, $0x1;
	s5 =	sadd.s32 s22, s3  }
0x15: {  	[timem:s7], [sflag:s23] =	dma.local [hbm:s5], s21  }
0x16: {  	_ =	swait.ge [sflag:s23], s21  }
0x17: {  	s4 =	ssub.s32 $0x0, s21;
	[sflag:s23] =	ssyncset.done $0x0  }
0x18: {  	[sflag:s23] =	ssyncadd.s32 s4;
	_ =	sdelay $0x1  }
0x19: {  	s24 =	simm.s32 $0x1B8B  }
0x1a: {  	_ =	swait.ge [sflag:s24], $0x1  }
0x1b: {  	[sflag:s24] =	ssyncset.done $0x0  }
0x1c: {  	s26 =	simm.s32 $0x1B8E;
	s25 =	sld [smem:$0x3FFE];
	[sflag:s24] =	ssyncadd.s32 $0xFFFFFFFF  }
0x1d: {  	s27 =	simm.s32 $execute0_lowered;
	[smem:$0x3FD2] =	sst s26  }
0x1e: {  	s5 =	sshll.u32 s27, $0x1;
	_ =	strace $0x80000046;
	[dreg:$0x1] =	wrdreg $0xFFFFFFFF  }
0x1f: {  	s28 =	simm.s32 $_size_execute0_lowered;
	s3 =	sadd.s32 s3, s5;
	[dreg:$0x0] =	wrdreg $0x0  }
0x20: {  	s5 =	sshll.u32 s28, $0x1;
	[dreg:$0x2] =	wrdreg s3  }
0x21: {  	[dreg:$0x3] =	wrdreg s5  }
0x22: {  	[dreg:$0x4] =	wrdreg $0xC0  }
0x23: {  	_ =	task [dreg:s7], $0x5FFFF  }
0x24: {  	[dreg:$0x1] =	wrdreg $0xFFFFFFFF  }
0x25: {  	[dreg:$0x0] =	wrdreg $0x60  }
0x26: {  	[dreg:$0x2] =	wrdreg s25  }
0x27: {  	[dreg:$0x3] =	wrdreg s2  }
0x28: {  	[dreg:$0x4] =	wrdreg $0x9  }
0x29: {  	_ =	task.clear_ibuf [dreg:s7], $0x5FFFF;
	_ =	strace $0x90000046  }
0x2a: {  	s29 =	simm.s32 $0x9;
	_ =	strace $0x80000048  }
0x2b: {  	_ =	swait.ge [sflag:s29], $0x1  }
0x2c: {  	[sflag:s29] =	ssyncadd.s32 $0xFFFFFFFF  }
0x2d: {  	_ =	strace $0x90000048  }
0x2e: {  	_ =	sfence  }
0x2f: {  	s30 =	sld [smem:$0x0];
	_ =	sdelay $0x2  }
0x30: {  	s31 =	sshll.u32 s1, $0xD;
	s1 =	sshrl.u32 s1, $0x2  }
0x31: {  	s3 =	sand.u32 $0x4000, s31;
	s1 =	sadd.s32 s1, s30  }
0x32: {  	s0 =	sor.u32 s3, s0;
	s1 =	sshll.u32 s1, $0x11  }
0x33: {  	s0 =	sor.u32 s1, s0  }
0x34: {  	s0 =	sadd.s32 $0x8F2B, s0  }
0x35: {  	[sflag:s0] =	ssyncadd.remote.s32 $0x1  }
0x36: {  	_ =	sfence.sel $0xFFFF  }
0x37: {  	[dreg:$0x0] =	wrdreg $0xFFFFFFFF;
	(pc) =	sbr.abs _section_cstart, $3  }
0x38: {  	[dreg:$0x1] =	wrdreg $0xFFFFFFFF  }
0x39: {  	_ =	task.clear_ibuf [dreg:s7], $0x2FFFF;
	_ =	strace $0x9FFFFFFF  }
0x3a: {  	(tm) =	ssettm $0x7FFFFFFF  }
0x3b: {  	_ =	shalt  }
tec
execute0_lowered:
.L_overlay_start_1:
0x0: {  	(tag) =	ssettag $0x1  }
0x1: {  	s0 =	rddreg [dreg:$0x0];
	s1 =	srdreg.scid;
	_ =	strace $0x80000047  }
0x2: {  	s2 =	stileid.u32;
	s3 =	simm.s32 $0x1;
	s31 =	simm.s32 $0x2  }
0x3: {  	s23 =	simm.s32 $0x0;
	p0 =	por $0x0, $0x0;
	s11 =	simm.s32 $0x6000  }
0x4: {  	s21 =	simm.s32 $0x0;
	s22 =	simm.s32 $0x0;
	s24 =	simm.s32 $0x0  }
0x5: {  	s12 =	simm.s32 $0x0;
	s13 =	simm.s32 $0x0;
	s15 =	simm.s32 $0x0  }
0x6: {  	s16 =	simm.s32 $0x0;
	s17 =	simm.s32 $0x0;
	s14 =	simm.s32 $0x0  }
0x7: {  	s1 =	sshll.u32 s1, $0x4;
	s0 =	sadd.s32 $0x1000, s0;
	s8 =	sand.u32 $0x3, s2  }
.Ltmp0:
0x8: {  	s30 =	sshll.u32 s2, $0x5;
	[sflag:s3] =	ssyncpa.u1 $0x0;
	(pc) =	sbr.rel .LBB1_1-.Ltmp0, $4  }
0x9: {  	[dreg:$0x3] =	wrdreg s0;
	s29 =	sand.u32 $0x10, s1;
	s10 =	sand.u32 $0x80, s30  }
0xa: {  	[sflag:s31] =	ssyncpa.u1 $0x0;
	[dreg:$0x4] =	wrdreg s8;
	s0 =	sor.u32 s2, s29  }
0xb: {  	s20 =	smov.u32 s8;
	[dreg:$0x6] =	wrdreg s10;
	s9 =	sshrl.u32 s0, $0x3  }
0xc: {  	s19 =	smov.u32 s10;
	s18 =	smov.u32 s9;
	[dreg:$0x5] =	wrdreg s9  }
.LBB1_17:
0xd: {  	s13 =	rddreg [dreg:$0x8]  }
0xe: {  	s15 =	rddreg [dreg:$0xa]  }
0xf: {  	s12 =	rddreg [dreg:$0x7]  }
0x10: {  	s3 =	rddreg [dreg:$0x16]  }
0x11: {  	s5 =	rddreg [dreg:$0x18]  }
0x12: {  	s20 =	rddreg [dreg:$0x17]  }
0x13: {  	s21 =	rddreg [dreg:$0x14]  }
0x14: {  	s23 =	rddreg [dreg:$0x15]  }
0x15: {  	s16 =	rddreg [dreg:$0xb]  }
0x16: {  	s27 =	rddreg [dreg:$0x1]  }
0x17: {  	s8 =	rddreg [dreg:$0x4]  }
0x18: {  	s9 =	rddreg [dreg:$0x5]  }
0x19: {  	s10 =	rddreg [dreg:$0x6]  }
0x1a: {  	s14 =	rddreg [dreg:$0x9]  }
0x1b: {  	s11 =	simm.s32 $0x6000;
	s17 =	rddreg [dreg:$0xc];
	s0 =	sshll.u32 s13, $0x8  }
0x1c: {  	s1 =	sshll.u32 s15, $0x3;
	p1 =	sgt.s32 s15, $0x80;
	s5 =	smul.u32 $0x4080, s5  }
0x1d: {  	s2 =	smov.u32 s15;
	s18 =	sshll.u32 s13, $0x7;
	s25 =	smul.u32 $0xA8000, s16  }
0x1e: {  	s24 =	sand.u32 $0x78, s15;
	s26 =	smul.u32 $0xC00, s12;
	s28 =	sand.u32 $0x7, s15  }
0x1f: {  	s0 =	sand.u32 $0xFFFFF800, s0;
	s1 =	sand.u32 $0xFFFFFC00, s1;
	s2 =	simm.s32 @!p1 $0x80  }
0x20: {  	p1 =	sgt.s32 s12, $0x60;
	s19 =	sand.u32 $0x300, s18;
	s29 =	sshll.u32 s28, $0x12  }
0x21: {  	s0 =	sadd.s32 s1, s0;
	s1 =	smov.u32 s12;
	s2 =	sadd.s32 s3, s2  }
0x22: {  	s3 =	sand.u32 $0x80, s18;
	s30 =	sor.u32 $0x8000, s5;
	s31 =	sor.u32 $0x80, s29  }
0x23: {  	s1 =	simm.s32 @!p1 $0x60;
	s4 =	sadd.s32 $0xFFFFFF80, s2;
	s0 =	sor.u32 s19, s0  }
0x24: {  	s2 =	ssub.s32 $0x100, s2;
	p1 =	sgt.s32 s4, $0x7F;
	s0 =	sshrl.u32 s0, $0x8  }
0x25: {  	s18 =	rddreg [dreg:$0xd];
	s2 =	simm.s32 @p1 $0x0;
	s22 =	smulhi.u32 $0x2AAAAAB, s0  }
0x26: {  	s19 =	rddreg [dreg:$0xe];
	s1 =	sadd.s32 s20, s1;
	s2 =	smul.u32 s21, s2  }
0x27: {  	s20 =	rddreg [dreg:$0xf];
	s6 =	sadd.s32 $0xFFFFFFA0, s1;
	s4 =	smul.u32 $0x60, s22  }
0x28: {  	s1 =	ssub.s32 $0xE0, s1;
	p1 =	sgt.s32 s6, $0x7F;
	s2 =	smul.u32 s23, s2  }
0x29: {  	s21 =	rddreg [dreg:$0x10];
	s1 =	simm.s32 @p1 $0x0;
	s0 =	ssub.s32 s0, s4  }
0x2a: {  	s4 =	sadd.s32 s27, s25;
	s1 =	smul.u32 s1, s2;
	s2 =	sor.u32 s24, s3  }
0x2b: {  	s22 =	rddreg [dreg:$0x11];
	s3 =	sadd.s32 s26, s4;
	s2 =	sshrl.u32 s2, $0x3  }
0x2c: {  	s23 =	rddreg [dreg:$0x12];
	s0 =	sshll.u32 s0, $0x5;
	s2 =	sadd.s32 s2, s3  }
0x2d: {  	s24 =	rddreg [dreg:$0x13];
	s1 =	sand.u32 $0x3FFFFFFF, s1;
	s0 =	sadd.s32 s0, s2  }
0x2e: {  	[hbm4b:s0+s31] =	stream.strided.scatter [tilespmem:s30], [sflag:$0x2], s1, s11, s31, $0x20;
	[tilespmem:$0x10100] =	vst v63  }
.LBB1_18:
0x2f: {  	p1 =	slt.u32 s14, $0x2;
	s0 =	smov.u32 s24  }
0x30: {  	s2 =	smov.u32 s23;
	s4 =	smov.u32 s21;
	p2 =	sgt.s32 @!p1 s24, $0x3  }
0x31: {  	s14 =	sadd.s32 $0x1, s14;
	s1 =	sshra.s32 @!p1 s24, $0x1F;
	p2 =	por !p2, p1  }
0x32: {  	p0 =	por !p0, !p0;
	s1 =	sand.u32 @!p1 s1, s24;
	s0 =	simm.s32 @p2 $0x3  }
0x33: {  	s3 =	sshra.s32 @!p1 s23, $0x1F;
	p2 =	sgt.s32 @!p1 s23, $0x60;
	s0 =	ssub.s32 @!p1 s0, s1  }
0x34: {  	s24 =	smov.u32 s16;
	p2 =	por !p2, p1;
	s1 =	sadd.s32 @!p1 $0xFFFFFFFD, s0  }
0x35: {  	s2 =	simm.s32 @p2 $0x60;
	s0 =	ssub.s32 @!p1 $0x4, s0;
	p3 =	sgt.s32 @!p1 s1, $0x0  }
0x36: {  	s1 =	sand.u32 @!p1 s3, s23;
	s3 =	sshra.s32 @!p1 s22, $0x1F;
	p2 =	por !p3, p1  }
0x37: {  	s1 =	ssub.s32 @!p1 s2, s1;
	p3 =	sgt.s32 @!p1 s22, $0x80;
	s3 =	sand.u32 @!p1 s3, s22  }
0x38: {  	s0 =	simm.s32 @!p2 $0x0;
	s2 =	sadd.s32 @!p1 $0xFFFFFFA0, s1;
	p3 =	por !p3, p1  }
0x39: {  	s1 =	ssub.s32 @!p1 $0xE0, s1;
	p2 =	sgt.s32 @!p1 s2, $0x7F;
	s2 =	smov.u32 s22  }
0x3a: {  	s2 =	simm.s32 @p3 $0x80;
	p3 =	sgt.s32 @!p1 s21, $0x5F;
	p2 =	por !p2, p1  }
0x3b: {  	p3 =	por !p3, p1;
	s2 =	ssub.s32 @!p1 s2, s3;
	s3 =	sshra.s32 @!p1 s21, $0x1F  }
0x3c: {  	s4 =	simm.s32 @p3 $0x5F;
	s3 =	sand.u32 @!p1 s3, s21;
	s5 =	sadd.s32 @!p1 $0xFFFFFF80, s2  }
0x3d: {  	s2 =	ssub.s32 @!p1 $0x100, s2;
	s3 =	ssub.s32 @!p1 s4, s3;
	p3 =	sgt.s32 @!p1 s5, $0x7F  }
0x3e: {  	s5 =	smov.u32 s18;
	s4 =	sadd.s32 @!p1 $0xFFFFFFA1, s3;
	p3 =	por !p3, p1  }
0x3f: {  	s3 =	ssub.s32 @!p1 $0x60, s3;
	s2 =	simm.s32 @!p3 $0x0;
	p3 =	sgt.s32 @!p1 s4, $0x0  }
0x40: {  	p3 =	por !p3, p1;
	s0 =	smul.u32 @!p1 s0, s2;
	s2 =	sadd.s32 $0x80, s17  }
0x41: {  	s4 =	sadd.s32 $0x4, s18;
	s3 =	simm.s32 @!p3 $0x0;
	p3 =	sgt.s32 s2, $0xDF  }
0x42: {  	s1 =	simm.s32 @!p2 $0x0;
	s0 =	smul.u32 @!p1 s3, s0;
	s5 =	smov.u32 @p3 s4  }
0x43: {  	s3 =	sadd.s32 $0x100, s19;
	s4 =	smov.u32 s19;
	p2 =	sgt.s32 s5, $0x5F  }
0x44: {  	s2 =	simm.s32 @p3 $0x0;
	s0 =	smul.u32 @!p1 s1, s0;
	s4 =	smov.u32 @p2 s3  }
0x45: {  	s1 =	sadd.s32 $0x4, s20;
	s3 =	smov.u32 s20;
	p3 =	sgt.s32 s4, $0xDF  }
0x46: {  	s16 =	smov.u32 s20;
	s23 =	smov.u32 s12;
	s3 =	smov.u32 @p3 s1  }
0x47: {  	s12 =	smov.u32 s17;
	s5 =	smov.u32 @p2 s9;
	p2 =	sgt.s32 s3, $0x3  }
0x48: {  	s22 =	smov.u32 s15;
	s3 =	smov.u32 @p2 s8;
	p2 =	sne.s32 s14, $0x32  }
.Ltmp1:
0x49: {  	s15 =	smov.u32 s19;
	s21 =	smov.u32 s13;
	(pc) =	sbr.rel @!p2 .LBB1_19-.Ltmp1, $4  }
0x4a: {  	s13 =	smov.u32 s18;
	s0 =	sand.u32 @!p1 $0x3FFFFFFF, s0;
	s1 =	simm.s32 @!p1 $0x2  }
0x4b: {  	s17 =	smov.u32 s2;
	s18 =	smov.u32 s5;
	_ =	swait.ge @!p1 [sflag:s1], s0  }
0x4c: {  	s4 =	smov.u32 @p3 s10;
	s0 =	ssub.s32 @!p1 $0x0, s0;
	[sflag:s1] =	ssyncset.done @!p1 $0x0  }
0x4d: {  	s19 =	smov.u32 s4;
	[sflag:s1] =	ssyncadd.s32 @!p1 s0;
	s20 =	smov.u32 s3  }
.LBB1_1:
0x4e: {  	p1 =	sgt.u32 s14, $0x2F  }
.Ltmp2:
0x4f: {  	_ = 	snop;
	(pc) =	sbr.rel @p1 .LBB1_3-.Ltmp2, $1  }
0x50: {  	_ =	sdelay $0x3  }
0x51: {  	s0 =	sand.u32 $0x78, s17;
	s1 =	sshll.u32 s18, $0x8  }
0x52: {  	s2 =	sshll.u32 s17, $0x3;
	s3 =	sshll.u32 s18, $0x7;
	p1 =	sgt.s32 s20, $0x3  }
0x53: {  	s25 =	sshra.s32 s20, $0x1F;
	s4 =	smov.u32 s19;
	s5 =	sshra.s32 s19, $0x1F  }
0x54: {  	s28 =	sshra.s32 s18, $0x1F;
	s30 =	sshra.s32 s17, $0x1F;
	s31 =	sxor.u32 $0xFFFFFFFF, s14  }
0x55: {  	s1 =	sand.u32 $0xFFFFF800, s1;
	s2 =	sand.u32 $0xFFFFFC00, s2;
	s7 =	sand.u32 $0x300, s3  }
0x56: {  	s3 =	sand.u32 $0x80, s3;
	s26 =	sand.u32 s5, s19;
	s29 =	sand.u32 s28, s18  }
0x57: {  	s28 =	rddreg [dreg:$0x3];
	s1 =	sadd.s32 s1, s2;
	s0 =	sor.u32 s0, s3  }
0x58: {  	s2 =	smov.u32 s20;
	s3 =	sand.u32 s25, s20;
	s25 =	smul.u32 $0xA8000, s20  }
0x59: {  	s1 =	sor.u32 s7, s1;
	s2 =	simm.s32 @!p1 $0x3;
	p1 =	sgt.s32 s19, $0x60  }
0x5a: {  	s0 =	sshrl.u32 s0, $0x3;
	s1 =	sshrl.u32 s1, $0x8;
	s2 =	ssub.s32 s2, s3  }
0x5b: {  	s4 =	simm.s32 @!p1 $0x60;
	s27 =	smulhi.u32 $0x2AAAAAB, s1;
	s6 =	sadd.s32 $0xFFFFFFFD, s2  }
0x5c: {  	s3 =	ssub.s32 s4, s26;
	s2 =	ssub.s32 $0x4, s2;
	s26 =	smul.u32 $0xC00, s19  }
0x5d: {  	p1 =	sgt.s32 s6, $0x0;
	s4 =	sadd.s32 $0xFFFFFFA0, s3;
	s3 =	ssub.s32 $0xE0, s3  }
0x5e: {  	s2 =	simm.s32 @p1 $0x0;
	p1 =	sgt.s32 s4, $0x7F;
	s4 =	smov.u32 s18  }
0x5f: {  	s5 =	smul.u32 $0x60, s27;
	s3 =	simm.s32 @p1 $0x0;
	p1 =	sgt.s32 s18, $0x5F  }
0x60: {  	s6 =	sand.u32 s30, s17;
	s2 =	smul.u32 s2, s3;
	s4 =	simm.s32 @!p1 $0x5F  }
0x61: {  	p1 =	sgt.s32 s17, $0x80;
	s3 =	ssub.s32 s4, s29;
	s4 =	smov.u32 s17  }
0x62: {  	s1 =	ssub.s32 s1, s5;
	s7 =	sadd.s32 $0xFFFFFFA1, s3;
	s4 =	simm.s32 @!p1 $0x80  }
0x63: {  	s3 =	ssub.s32 $0x60, s3;
	p1 =	sgt.s32 s7, $0x0;
	s4 =	ssub.s32 s4, s6  }
0x64: {  	s29 =	sand.u32 $0x7, s17;
	s3 =	simm.s32 @p1 $0x0;
	s7 =	sadd.s32 $0xFFFFFF80, s4  }
0x65: {  	s2 =	smul.u32 s3, s2;
	p1 =	sgt.s32 s7, $0x7F;
	s3 =	ssub.s32 $0x100, s4  }
0x66: {  	s1 =	sshll.u32 s1, $0x5;
	s4 =	sadd.s32 s28, s25;
	s3 =	simm.s32 @p1 $0x0  }
0x67: {  	s30 =	sshll.u32 s29, $0x12;
	s4 =	sadd.s32 s26, s4;
	s2 =	smul.u32 s3, s2  }
0x68: {  	s6 =	sshll.u32 s31, $0xE;
	s31 =	sor.u32 $0x80, s30;
	s0 =	sadd.s32 s0, s4  }
0x69: {  	s27 =	sand.u32 $0x4000, s6;
	s0 =	sadd.s32 s1, s0;
	s2 =	sand.u32 $0x3FFFFFFF, s2  }
0x6a: {  	[tilespmem:s27], [sflag:$0x1] =	stream.strided.gather [hbm4b:s0+s31], s2, s11, s31, $0x38;
	[tilespmem:$0x10100] =	vst v63  }
.LBB1_3:
0x6b: {  	p1 =	seq.s32 s14, $0x0  }
0x6c: {  	p2 =	seq.s32 @!p1 s14, $0x31  }
0x6d: {  	p1 =	por p1, p2  }
.Ltmp3:
0x6e: {  	_ = 	snop;
	(pc) =	sbr.rel @p1 .LBB1_18-.Ltmp3, $1  }
0x6f: {  	_ =	sdelay $0x3  }
0x70: {  	[dreg:$0x13] =	wrdreg s24  }
0x71: {  	[dreg:$0x12] =	wrdreg s23  }
0x72: {  	[dreg:$0x11] =	wrdreg s22  }
0x73: {  	[dreg:$0x10] =	wrdreg s21  }
0x74: {  	[dreg:$0xf] =	wrdreg s20  }
0x75: {  	[dreg:$0xe] =	wrdreg s19  }
0x76: {  	[dreg:$0xd] =	wrdreg s18  }
0x77: {  	[dreg:$0xc] =	wrdreg s17  }
0x78: {  	p1 =	sgt.s32 s16, $0x3;
	s0 =	smov.u32 s16;
	s1 =	sshra.s32 s16, $0x1F  }
0x79: {  	s19 =	ssub.s32 $0x0, s15;
	s2 =	sshra.s32 s15, $0x1F;
	p2 =	sgt.s32 s13, $0x5F  }
0x7a: {  	s3 =	smov.u32 s13;
	s4 =	sshra.s32 s13, $0x1F;
	p3 =	sgt.s32 s15, $0x60  }
0x7b: {  	s5 =	smov.u32 s15;
	s24 =	ssub.s32 $0x0, s12;
	[dreg:$0x7] =	wrdreg s12  }
0x7c: {  	s25 =	sshra.s32 s12, $0x1F;
	[dreg:$0xb] =	wrdreg s16;
	s0 =	simm.s32 @!p1 $0x3  }
0x7d: {  	s1 =	sand.u32 s1, s16;
	s3 =	simm.s32 @!p2 $0x5F;
	s4 =	sand.u32 s4, s13  }
0x7e: {  	s2 =	sand.u32 s19, s2;
	s5 =	simm.s32 @!p3 $0x60;
	p2 =	sgt.s32 s12, $0x80  }
0x7f: {  	s26 =	sand.u32 s24, s25;
	s0 =	ssub.s32 s0, s1;
	s20 =	ssub.s32 s3, s4  }
0x80: {  	[dreg:$0x16] =	wrdreg s2;
	s21 =	sadd.s32 s2, s5;
	s5 =	smov.u32 s12  }
0x81: {  	s2 =	sadd.s32 $0x1, s16;
	s1 =	sadd.s32 $0xFFFFFFFD, s0;
	s6 =	ssub.s32 $0x4, s0  }
0x82: {  	s22 =	sadd.s32 $0xFFFFFFA1, s20;
	s23 =	sadd.s32 $0xFFFFFFA0, s21;
	s7 =	ssub.s32 $0x60, s20  }
0x83: {  	s5 =	simm.s32 @!p2 $0x80;
	s0 =	ssub.s32 $0xE0, s21;
	p1 =	sgt.s32 s1, $0x0  }
0x84: {  	s1 =	sadd.s32 s26, s5;
	s6 =	simm.s32 @p1 $0x0;
	p1 =	sgt.s32 s22, $0x0  }
0x85: {  	p2 =	sgt.s32 s23, $0x7F;
	s27 =	sadd.s32 $0xFFFFFF80, s1;
	s7 =	simm.s32 @p1 $0x0  }
0x86: {  	s1 =	ssub.s32 $0x100, s1;
	p1 =	sgt.s32 s27, $0x7F;
	s28 =	smul.u32 s6, s7  }
0x87: {  	s0 =	simm.s32 @p2 $0x0;
	s1 =	simm.s32 @p1 $0x0;
	p1 =	slt.s32 s2, $0x4  }
0x88: {  	s3 =	sadd.s32 $0x80, s15;
	s2 =	simm.s32 @!p1 $0x4;
	s0 =	smul.u32 s0, s28  }
0x89: {  	[dreg:$0xa] =	wrdreg s15;
	p1 =	slt.s32 s3, $0xE0;
	s2 =	ssub.s32 s2, s16  }
0x8a: {  	s3 =	simm.s32 @!p1 $0xE0;
	s0 =	smul.u32 s1, s0;
	s1 =	sadd.s32 $0x1, s13  }
0x8b: {  	s3 =	ssub.s32 s3, s15;
	p1 =	slt.s32 s2, $0x1;
	p2 =	slt.s32 s1, $0x60  }
0x8c: {  	[dreg:$0x8] =	wrdreg s13;
	s1 =	simm.s32 @!p2 $0x60;
	p2 =	slt.s32 @!p1 s3, $0x1  }
0x8d: {  	[dreg:$0x17] =	wrdreg s26;
	s29 =	ssub.s32 s1, s13;
	p2 =	por p1, p2  }
0x8e: {  	[dreg:$0x14] =	wrdreg s6;
	p3 =	slt.s32 @!p2 s29, $0x1  }
0x8f: {  	[dreg:$0x15] =	wrdreg s7;
	p2 =	por p2, p3  }
.Ltmp4:
0x90: {  	[dreg:$0x19] =	wrdreg s2;
	(pc) =	sbr.rel @p2 .LBB1_17-.Ltmp4, $4  }
0x91: {  	s30 =	simm.s32 $0x1;
	[dreg:$0x1a] =	wrdreg s3;
	s0 =	sand.u32 $0x3FFFFFFF, s0  }
0x92: {  	s31 =	sand.u32 $0x1, s14;
	_ =	swait.ge [sflag:s30], s0  }
0x93: {  	s0 =	ssub.s32 $0x0, s0;
	[dreg:$0x9] =	wrdreg s14;
	[sflag:s30] =	ssyncset.done $0x0  }
0x94: {  	[dreg:$0x18] =	wrdreg s31;
	[sflag:s30] =	ssyncadd.s32 s0  }
0x95: {  	s0 =	simm.s32 $0x1  }
0x96: {  	s0 =	simm.s32 @!p0 $0x0  }
0x97: {  	s0 =	smul.u32 $0x10200, s0;
	_ =	sdelay $0x1  }
0x98: {  	s2 =	sshrl.u32 s0, $0x2  }
0x99: {  	s3 =	rddreg [dreg:$0x7];
	s4 =	sadd.s32 $0xF8F0, s2  }
0x9a: {  	s16 =	sadd.s32 $0xF0E0, s2;
	[dreg:$0x1b] =	wrdreg s4  }
0x9b: {  	s17 =	sadd.s32 $0xE8D0, s2;
	[dreg:$0x1c] =	wrdreg s16  }
0x9c: {  	s18 =	sadd.s32 $0xE0C0, s2;
	[dreg:$0x1d] =	wrdreg s17  }
0x9d: {  	s19 =	sadd.s32 $0xD8B0, s2;
	[dreg:$0x1e] =	wrdreg s18  }
0x9e: {  	s20 =	sadd.s32 $0xD0A0, s2;
	[dreg:$0x1f] =	wrdreg s19  }
0x9f: {  	s21 =	sadd.s32 $0xC890, s2;
	[smem:$0x7F1] =	sst s20  }
0xa0: {  	s22 =	sadd.s32 $0xC080, s2;
	[smem:$0x7F2] =	sst s21  }
0xa1: {  	s24 =	sadd.s32 $0xB870, s2;
	[smem:$0x7F3] =	sst s22  }
0xa2: {  	s1 =	sadd.s32 $0x80, s3;
	s25 =	sadd.s32 $0xB060, s2;
	[smem:$0x7F4] =	sst s24  }
0xa3: {  	p2 =	slt.s32 s1, $0xE0;
	s26 =	sadd.s32 $0xA850, s2;
	[smem:$0x7F5] =	sst s25  }
0xa4: {  	s1 =	simm.s32 @!p2 $0xE0;
	s27 =	sadd.s32 $0xA040, s2;
	[smem:$0x7F6] =	sst s26  }
0xa5: {  	s1 =	ssub.s32 s1, s3;
	s28 =	sadd.s32 $0x9830, s2;
	[smem:$0x7F7] =	sst s27  }
0xa6: {  	s1 =	sadd.s32 $0xF, s1;
	s30 =	sadd.s32 $0x9020, s2;
	[smem:$0x7F8] =	sst s28  }
0xa7: {  	s31 =	sadd.s32 $0x8810, s2;
	s23 =	sshrl.u32 s1, $0x8;
	[smem:$0x7F9] =	sst s30  }
0xa8: {  	s2 =	sor.u32 $0x8000, s2;
	[smem:$0x7FA] =	sst s31;
	s3 =	smul.u32 $0x20400, s23  }
.Ltmp5:
0xa9: {  	[smem:$0x7FB] =	sst s2;
	(pc) =	sbr.rel .LBB1_6-.Ltmp5, $4  }
0xaa: {  	s18 =	sand.u32 $0xFFFFFFF0, s1;
	s2 =	rddreg [dreg:$0x18];
	s0 =	sadd.s32 s0, s3  }
0xab: {  	s19 =	sand.u32 @!p1 $0xFFFFFF00, s1;
	s2 =	sshll.u32 @!p1 s2, $0xE;
	s0 =	sshra.s32 s0, $0x2  }
0xac: {  	p1 =	slt.s32 s1, $0x100;
	[smem:$0x7FC] =	sst s2;
	s0 =	sadd.s32 $0x8000, s0  }
0xad: {  	p2 =	sge.s32 s19, s18;
	s2 =	simm.s32 $0x0;
	[smem:$0x7FD] =	sst s0  }
.LBB1_16:
0xae: {  	s2 =	sld [smem:$0x7EF]  }
0xaf: {  	s0 =	rddreg [dreg:$0x1b]  }
0xb0: {  	s12 =	rddreg [dreg:$0x1c]  }
0xb1: {  	s13 =	rddreg [dreg:$0x1d]  }
0xb2: {  	s14 =	rddreg [dreg:$0x1e]  }
0xb3: {  	s15 =	rddreg [dreg:$0x1f]  }
0xb4: {  	s16 =	sld [smem:$0x7F1]  }
0xb5: {  	s17 =	sld [smem:$0x7F2]  }
0xb6: {  	s20 =	sld [smem:$0x7F3]  }
0xb7: {  	s21 =	sld [smem:$0x7F4]  }
0xb8: {  	s22 =	sld [smem:$0x7F5]  }
0xb9: {  	s23 =	sld [smem:$0x7F6]  }
0xba: {  	s24 =	sld [smem:$0x7F7]  }
0xbb: {  	s25 =	sld [smem:$0x7F8]  }
0xbc: {  	s26 =	sld [smem:$0x7F9]  }
0xbd: {  	s27 =	rddreg [dreg:$0x19]  }
0xbe: {  	s28 =	sld [smem:$0x7FA]  }
0xbf: {  	s30 =	sld [smem:$0x7FB]  }
0xc0: {  	s31 =	sld [smem:$0x7FD];
	s0 =	sadd.s32 $0x4080, s0  }
0xc1: {  	[dreg:$0x1b] =	wrdreg s0;
	s0 =	sadd.s32 $0x4080, s12  }
0xc2: {  	[dreg:$0x1c] =	wrdreg s0;
	s0 =	sadd.s32 $0x4080, s13  }
0xc3: {  	[dreg:$0x1d] =	wrdreg s0;
	s0 =	sadd.s32 $0x4080, s14  }
0xc4: {  	[dreg:$0x1e] =	wrdreg s0;
	s0 =	sadd.s32 $0x4080, s15  }
0xc5: {  	[dreg:$0x1f] =	wrdreg s0;
	s0 =	sadd.s32 $0x4080, s16  }
0xc6: {  	[smem:$0x7F1] =	sst s0;
	s0 =	sadd.s32 $0x4080, s17  }
0xc7: {  	[smem:$0x7F2] =	sst s0;
	s0 =	sadd.s32 $0x4080, s20  }
0xc8: {  	[smem:$0x7F3] =	sst s0;
	s0 =	sadd.s32 $0x4080, s21  }
0xc9: {  	[smem:$0x7F4] =	sst s0;
	s0 =	sadd.s32 $0x4080, s22  }
0xca: {  	[smem:$0x7F5] =	sst s0;
	s0 =	sadd.s32 $0x4080, s23  }
0xcb: {  	s2 =	sadd.s32 $0x1, s2;
	[smem:$0x7F6] =	sst s0;
	s0 =	sadd.s32 $0x4080, s24  }
0xcc: {  	p3 =	sne.s32 s2, s27;
	[smem:$0x7F7] =	sst s0;
	s0 =	sadd.s32 $0x4080, s25  }
.Ltmp6:
0xcd: {  	[smem:$0x7F8] =	sst s0;
	s0 =	sadd.s32 $0x4080, s26;
	(pc) =	sbr.rel @!p3 .LBB1_17-.Ltmp6, $4  }
0xce: {  	[smem:$0x7F9] =	sst s0;
	s0 =	sadd.s32 $0x4080, s28  }
0xcf: {  	[smem:$0x7FA] =	sst s0;
	s0 =	sadd.s32 $0x4080, s30  }
0xd0: {  	[smem:$0x7FB] =	sst s0;
	s0 =	sadd.s32 $0x4080, s31  }
0xd1: {  	[smem:$0x7FD] =	sst s0  }
.LBB1_6:
.Ltmp7:
0xd2: {  	s1 =	sld [smem:$0x7FC];
	(pc) =	sbr.rel .LBB1_7-.Ltmp7, $4  }
0xd3: {  	s0 =	sshll.u32 s2, $0x10  }
0xd4: {  	s0 =	sshra.s32 s0, $0x2  }
0xd5: {  	[smem:$0x7EF] =	sst s2;
	s0 =	sadd.s32 s0, s1  }
0xd6: {  	s2 =	simm.s32 $0x0;
	s1 =	simm.s32 $0x0;
	[smem:$0x7F0] =	sst s0  }
.LBB1_15:
0xd7: {  	s2 =	sld [smem:$0x7EC];
	_ =	sdelay $0x2  }
0xd8: {  	s0 =	rddreg [dreg:$0x1a];
	s2 =	sadd.s32 $0x1, s2  }
0xd9: {  	p3 =	sne.s32 s2, s0  }
.Ltmp8:
0xda: {  	_ = 	snop;
	(pc) =	sbr.rel @!p3 .LBB1_16-.Ltmp8, $2  }
0xdb: {  	s1 =	sld [smem:$0x7ED];
	_ =	sdelay $0x2  }
0xdc: {  	s1 =	sadd.s32 $0x1, s1  }
.LBB1_7:
0xdd: {  	[smem:$0x7EC] =	sst s2  }
0xde: {  	s3 =	sld [smem:$0x7F0]  }
.Ltmp9:
0xdf: {  	s31 =	sld [smem:$0x7FD];
	(pc) =	sbr.rel .LBB1_8-.Ltmp9, $4  }
0xe0: {  	s0 =	sshll.u32 s2, $0x9;
	[smem:$0x7ED] =	sst s1  }
0xe1: {  	s28 =	sand.u32 $0x7F, s1;
	s15 =	simm.s32 $0x0;
	s0 =	sshra.s32 s0, $0x2  }
0xe2: {  	s30 =	sshll.u32 s28, $0x2;
	s16 =	sadd.s32 s0, s3;
	s0 =	sadd.s32 s28, s31  }
0xe3: {  	s11 =	simm.s32 $0x0;
	s12 =	sshrl.u32 s30, $0x2;
	[smem:$0x7EE] =	sst s0  }
.LBB1_14:
0xe4: {  	s11 =	sadd.s32 $0x1, s11  }
0xe5: {  	p3 =	sne.s32 s11, s29  }
.Ltmp10:
0xe6: {  	_ = 	snop;
	(pc) =	sbr.rel @!p3 .LBB1_15-.Ltmp10, $2  }
0xe7: {  	_ =	sdelay $0x2  }
0xe8: {  	s15 =	sadd.s32 $0x1, s15  }
.LBB1_8:
.Ltmp11:
0xe9: {  	(pc) =	sbr.rel @p1 .LBB1_11-.Ltmp11, $3  }
0xea: {  	s0 =	sand.u32 $0x7, s15  }
0xeb: {  	s0 =	smul.u32 $0x204, s0;
	_ =	sdelay $0x1  }
0xec: {  	s20 =	sshll.u32 s11, $0x7;
	s27 =	sshrl.u32 s0, $0x2  }
0xed: {  	s0 =	rddreg [dreg:$0x1b]  }
0xee: {  	s17 =	rddreg [dreg:$0x1c]  }
0xef: {  	s21 =	rddreg [dreg:$0x1d]  }
0xf0: {  	s22 =	rddreg [dreg:$0x1e]  }
0xf1: {  	s1 =	rddreg [dreg:$0x1f]  }
0xf2: {  	s2 =	sld [smem:$0x7F1]  }
0xf3: {  	s3 =	sld [smem:$0x7F2]  }
0xf4: {  	s23 =	sld [smem:$0x7F3]  }
0xf5: {  	s9 =	sld [smem:$0x7F7]  }
0xf6: {  	s4 =	sld [smem:$0x7F4]  }
0xf7: {  	s5 =	sld [smem:$0x7F5];
	s28 =	sand.u32 $0x380, s20  }
0xf8: {  	s7 =	sld [smem:$0x7F6];
	s13 =	sadd.s32 s27, s9;
	s9 =	sadd.s32 s28, s16  }
0xf9: {  	s24 =	sld [smem:$0x7F8];
	v5 =	vld [tilespmem:s9+$0x70]  }
0xfa: {  	s26 =	sld [smem:$0x7F9];
	v6 =	vld [tilespmem:s9+$0x60]  }
0xfb: {  	s30 =	sld [smem:$0x7FB];
	v7 =	vld [tilespmem:s9+$0x50]  }
0xfc: {  	s14 =	sadd.s32 s27, s0;
	s25 =	sadd.s32 s27, s17;
	s17 =	sld [smem:$0x7FA];
	v0 =	vld [tilespmem:s9+$0x40]  }
0xfd: {  	s6 =	sadd.s32 s27, s3;
	s3 =	sadd.s32 s27, s23;
	s23 =	sadd.s32 s12, s14;
	v1 =	vld [tilespmem:s9+$0x30]  }
0xfe: {  	s8 =	sadd.s32 s27, s21;
	s21 =	sadd.s32 s27, s26;
	s26 =	sadd.s32 s12, s25;
	v2 =	vld [tilespmem:s9+$0x20];
	[tilespmem:s23+$0x0 ss:$0x81] =	vst.msk $0xffff, v5  }
0xff: {  	s0 =	sadd.s32 s27, s22;
	s31 =	sadd.s32 s12, s8;
	v3 =	vld [tilespmem:s9+$0x10];
	[tilespmem:s26+$0x0 ss:$0x81] =	vst.msk $0xffff, v6  }
0x100: {  	s1 =	sadd.s32 s27, s1;
	s22 =	sadd.s32 s27, s17;
	v4 =	vld [tilespmem:s9+$0x0];
	s17 =	sadd.s32 s12, s0;
	[tilespmem:s31+$0x0 ss:$0x81] =	vst.msk $0xffff, v7  }
0x101: {  	s2 =	sadd.s32 s27, s2;
	s28 =	sadd.s32 s12, s1;
	[tilespmem:s17+$0x0 ss:$0x81] =	vst.msk $0xffff, v0  }
0x102: {  	s10 =	sadd.s32 s27, s24;
	s24 =	sadd.s32 s27, s30;
	s30 =	sadd.s32 s12, s2;
	[tilespmem:s28+$0x0 ss:$0x81] =	vst.msk $0xffff, v1  }
0x103: {  	p4 =	sgt.s32 s19, $0x100;
	s31 =	sadd.s32 s12, s6;
	[tilespmem:s30+$0x0 ss:$0x81] =	vst.msk $0xffff, v2  }
.Ltmp12:
0x104: {  	s17 =	sadd.s32 s12, s3;
	[tilespmem:s31+$0x0 ss:$0x81] =	vst.msk $0xffff, v3;
	(pc) =	sbr.rel @!p4 .LBB1_10-.Ltmp12, $4  }
0x105: {  	s28 =	sadd.s32 s12, s24;
	[tilespmem:s17+$0x0 ss:$0x81] =	vst.msk $0xffff, v4  }
0x106: {  	s30 =	sadd.s32 s12, s22;
	[tilespmem:s28+$0x0 ss:$0x81] =	vst.msk $0xffff, v4  }
0x107: {  	p3 =	por $0x0, $0x0;
	s4 =	sadd.s32 s27, s4;
	[tilespmem:s30+$0x0 ss:$0x81] =	vst.msk $0xffff, v3;
	s31 =	sadd.s32 s12, s21  }
0x108: {  	s5 =	sadd.s32 s27, s5;
	s7 =	sadd.s32 s27, s7;
	s23 =	sadd.s32 s12, s10;
	[tilespmem:s31+$0x0 ss:$0x81] =	vst.msk $0xffff, v2  }
0x109: {  	v2 =	vld [tilespmem:s9+$0x70];
	[tilespmem:s23+$0x0 ss:$0x81] =	vst.msk $0xffff, v1;
	s26 =	sadd.s32 s12, s13  }
0x10a: {  	v4 =	vld [tilespmem:s9+$0x60];
	s17 =	sadd.s32 s12, s7;
	[tilespmem:s26+$0x0 ss:$0x81] =	vst.msk $0xffff, v0  }
0x10b: {  	v3 =	vld [tilespmem:s9+$0x50];
	[tilespmem:s17+$0x0 ss:$0x81] =	vst.msk $0xffff, v7;
	s26 =	sadd.s32 s12, s5  }
0x10c: {  	s14 =	sadd.s32 $0x8100, s14;
	v1 =	vld [tilespmem:s9+$0x30];
	s17 =	sadd.s32 s12, s4;
	[tilespmem:s26+$0x0 ss:$0x81] =	vst.msk $0xffff, v6  }
0x10d: {  	s30 =	sadd.s32 $0x8100, s25;
	v0 =	vld [tilespmem:s9+$0x40];
	s26 =	sadd.s32 s12, s14;
	[tilespmem:s17+$0x0 ss:$0x81] =	vst.msk $0xffff, v5  }
0x10e: {  	s31 =	sadd.s32 $0x8100, s8;
	s25 =	sadd.s32 s12, s30;
	v5 =	vld [tilespmem:s9+$0x20];
	[tilespmem:s26+$0x0 ss:$0x81] =	vst.msk $0xffff, v2  }
0x10f: {  	s1 =	sadd.s32 $0x8100, s1;
	s8 =	sadd.s32 s12, s31;
	v6 =	vld [tilespmem:s9+$0x10];
	[tilespmem:s25+$0x0 ss:$0x81] =	vst.msk $0xffff, v4  }
0x110: {  	s0 =	sadd.s32 $0x8100, s0;
	v7 =	vld [tilespmem:s9+$0x0];
	s17 =	sadd.s32 s12, s1;
	[tilespmem:s8+$0x0 ss:$0x81] =	vst.msk $0xffff, v3  }
0x111: {  	s2 =	sadd.s32 $0x8100, s2;
	s26 =	sadd.s32 s12, s0;
	[tilespmem:s17+$0x0 ss:$0x81] =	vst.msk $0xffff, v1  }
0x112: {  	s3 =	sadd.s32 $0x8100, s3;
	s25 =	sadd.s32 s12, s2;
	s8 =	sadd.s32 $0x8100, s6;
	[tilespmem:s26+$0x0 ss:$0x81] =	vst.msk $0xffff, v0  }
0x113: {  	p4 =	sgt.s32 s19, $0x200;
	s13 =	sadd.s32 $0x8100, s13;
	s6 =	sadd.s32 s12, s8;
	[tilespmem:s25+$0x0 ss:$0x81] =	vst.msk $0xffff, v5  }
.Ltmp13:
0x114: {  	s26 =	sadd.s32 s12, s3;
	[tilespmem:s6+$0x0 ss:$0x81] =	vst.msk $0xffff, v6;
	s6 =	sadd.s32 $0x8100, s24;
	(pc) =	sbr.rel @!p4 .LBB1_21-.Ltmp13, $4  }
0x115: {  	p3 =	por $0x1, $0x1;
	[tilespmem:s26+$0x0 ss:$0x81] =	vst.msk $0xffff, v7;
	s26 =	sadd.s32 $0x8100, s22;
	s17 =	sadd.s32 s12, s6  }
0x116: {  	s28 =	smov.u32 s5;
	s25 =	sadd.s32 $0x8100, s21;
	s22 =	sadd.s32 s12, s26;
	[tilespmem:s17+$0x0 ss:$0x81] =	vst.msk $0xffff, v7  }
0x117: {  	s24 =	simm.s32 $0x200;
	s21 =	sadd.s32 s12, s25;
	[tilespmem:s22+$0x0 ss:$0x81] =	vst.msk $0xffff, v6;
	s22 =	sadd.s32 $0x8100, s10  }
0x118: {  	[tilespmem:s21+$0x0 ss:$0x81] =	vst.msk $0xffff, v5;
	s10 =	smov.u32 s7;
	s21 =	smov.u32 s4;
	s23 =	sadd.s32 s12, s22  }
.LBB1_22:
0x119: {  	v5 =	vld [tilespmem:s9+$0x70];
	[tilespmem:s23+$0x0 ss:$0x81] =	vst.msk $0xffff, v1;
	s23 =	sadd.s32 s12, s13;
	s10 =	sadd.s32 $0x8100, s10  }
0x11a: {  	s28 =	sadd.s32 $0x8100, s28;
	v6 =	vld [tilespmem:s9+$0x60];
	[tilespmem:s23+$0x0 ss:$0x81] =	vst.msk $0xffff, v0;
	s23 =	sadd.s32 s12, s10  }
0x11b: {  	s21 =	sadd.s32 $0x8100, s21;
	[tilespmem:s23+$0x0 ss:$0x81] =	vst.msk $0xffff, v3;
	v3 =	vld [tilespmem:s9+$0x50];
	s23 =	sadd.s32 s12, s28  }
0x11c: {  	s14 =	sadd.s32 $0x8100, s14;
	v0 =	vld [tilespmem:s9+$0x40];
	[tilespmem:s23+$0x0 ss:$0x81] =	vst.msk $0xffff, v4;
	s23 =	sadd.s32 s12, s21  }
0x11d: {  	s30 =	sadd.s32 $0x8100, s30;
	s17 =	sadd.s32 s12, s14;
	v1 =	vld [tilespmem:s9+$0x30];
	[tilespmem:s23+$0x0 ss:$0x81] =	vst.msk $0xffff, v2  }
0x11e: {  	s31 =	sadd.s32 $0x8100, s31;
	s23 =	sadd.s32 s12, s30;
	v7 =	vld [tilespmem:s9+$0x20];
	[tilespmem:s17+$0x0 ss:$0x81] =	vst.msk $0xffff, v5;
	v2 =	vmov v5  }
0x11f: {  	s0 =	sadd.s32 $0x8100, s0;
	s17 =	sadd.s32 s12, s31;
	v5 =	vld [tilespmem:s9+$0x10];
	[tilespmem:s23+$0x0 ss:$0x81] =	vst.msk $0xffff, v6;
	v4 =	vmov v6  }
0x120: {  	s24 =	sadd.s32 $0x100, s24;
	s1 =	sadd.s32 $0x8100, s1;
	s23 =	sadd.s32 s12, s0;
	v6 =	vld [tilespmem:s9+$0x0];
	[tilespmem:s17+$0x0 ss:$0x81] =	vst.msk $0xffff, v3  }
0x121: {  	s2 =	sadd.s32 $0x8100, s2;
	p4 =	slt.s32 s24, s19;
	s17 =	sadd.s32 s12, s1;
	[tilespmem:s23+$0x0 ss:$0x81] =	vst.msk $0xffff, v0  }
0x122: {  	s8 =	sadd.s32 $0x8100, s8;
	s23 =	sadd.s32 s12, s2;
	[tilespmem:s17+$0x0 ss:$0x81] =	vst.msk $0xffff, v1  }
0x123: {  	s3 =	sadd.s32 $0x8100, s3;
	s17 =	sadd.s32 s12, s8;
	[tilespmem:s23+$0x0 ss:$0x81] =	vst.msk $0xffff, v7  }
.Ltmp14:
0x124: {  	s6 =	sadd.s32 $0x8100, s6;
	s23 =	sadd.s32 s12, s3;
	[tilespmem:s17+$0x0 ss:$0x81] =	vst.msk $0xffff, v5;
	(pc) =	sbr.rel @p4 .LBB1_22-.Ltmp14, $4  }
0x125: {  	s26 =	sadd.s32 $0x8100, s26;
	s17 =	sadd.s32 s12, s6;
	[tilespmem:s23+$0x0 ss:$0x81] =	vst.msk $0xffff, v6  }
0x126: {  	s25 =	sadd.s32 $0x8100, s25;
	[tilespmem:s17+$0x0 ss:$0x81] =	vst.msk $0xffff, v6;
	s17 =	sadd.s32 s12, s26  }
0x127: {  	s22 =	sadd.s32 $0x8100, s22;
	[tilespmem:s17+$0x0 ss:$0x81] =	vst.msk $0xffff, v5;
	s17 =	sadd.s32 s12, s25  }
0x128: {  	s13 =	sadd.s32 $0x8100, s13;
	s23 =	sadd.s32 s12, s22;
	[tilespmem:s17+$0x0 ss:$0x81] =	vst.msk $0xffff, v7  }
0x129: {  	v7 =	vmov v3;
	v6 =	vmov v4;
	v5 =	vmov v2  }
.LBB1_24:
0x12a: {  	s0 =	sadd.s32 @p3 $0x8100, s10  }
0x12b: {  	[tilespmem:s23+$0x0 ss:$0x81] =	vst.msk $0xffff, v1;
	s1 =	sadd.s32 s12, s13;
	s7 =	smov.u32 @p3 s0;
	s0 =	sadd.s32 @p3 $0x8100, s28  }
0x12c: {  	[tilespmem:s1+$0x0 ss:$0x81] =	vst.msk $0xffff, v0;
	s30 =	sadd.s32 s12, s7;
	s5 =	smov.u32 @p3 s0;
	s0 =	sadd.s32 @p3 $0x8100, s21  }
0x12d: {  	[tilespmem:s30+$0x0 ss:$0x81] =	vst.msk $0xffff, v7;
	s31 =	sadd.s32 s12, s5;
	s4 =	smov.u32 @p3 s0  }
0x12e: {  	[tilespmem:s31+$0x0 ss:$0x81] =	vst.msk $0xffff, v6;
	s0 =	sadd.s32 s12, s4  }
0x12f: {  	[tilespmem:s0+$0x0 ss:$0x81] =	vst.msk $0xffff, v5  }
.LBB1_11:
.Ltmp15:
0x130: {  	(pc) =	sbr.rel @p2 .LBB1_14-.Ltmp15, $1  }
0x131: {  	_ =	sdelay $0x3  }
0x132: {  	s0 =	sand.u32 $0x380, s20  }
0x133: {  	s1 =	sadd.s32 s0, s16  }
0x134: {  	s31 =	sld [smem:$0x7EE];
	v0 =	vmov s1;
	_ =	sdelay $0x2  }
0x135: {  	s1 =	smov.u32 s19;
	s0 =	sadd.s32 s27, s31  }
.LBB1_13:
0x136: {  	s2 =	sand.u32 $0x70, s1;
	s1 =	sadd.s32 $0x10, s1  }
0x137: {  	v1 =	vld.idx.msk [tilespmem:v0+s2+$0x0 ss:$0x1], $0xffff;
	p3 =	slt.s32 s1, s18  }
.Ltmp16:
0x138: {  	_ = 	snop;
	(pc) =	sbr.rel @p3 .LBB1_13-.Ltmp16, $2  }
0x139: {  	_ =	sdelay $0x2  }
0x13a: {  	[tilespmem:s0+$0x0 ss:$0x81] =	vst.msk $0xffff, v1;
	s0 =	sadd.s32 $0x810, s0  }
.Ltmp17:
0x13b: {  	_ = 	snop;
	(pc) =	sbr.rel .LBB1_14-.Ltmp17, $1  }
0x13c: {  	_ =	sdelay $0x3  }
.LBB1_10:
.Ltmp18:
0x13d: {  	(pc) =	sbr.rel .LBB1_24-.Ltmp18, $2  }
0x13e: {  	_ =	sdelay $0x2  }
0x13f: {  	s10 =	smov.u32 s7;
	s28 =	smov.u32 s5;
	s21 =	smov.u32 s4  }
.LBB1_21:
.Ltmp19:
0x140: {  	(pc) =	sbr.rel .LBB1_24-.Ltmp19, $2  }
0x141: {  	_ =	sdelay $0x2  }
0x142: {  	s10 =	smov.u32 s7;
	s28 =	smov.u32 s5;
	v7 =	vmov v3;
	s21 =	smov.u32 s4;
	v6 =	vmov v4;
	v5 =	vmov v2  }
.LBB1_19:
0x143: {  	_ =	sfence.sel $0x180000  }
0x144: {  	s0 =	simm.s32 $0x1;
	[bflag:$0x0] =	sbarrier.arrive $0xFFFF  }
0x145: {  	s30 =	simm.s32 $0x2;
	[sflag:s0] =	ssyncpa.u1 $0x1  }
0x146: {  	[sflag:s30] =	ssyncpa.u1 $0x1  }
0x147: {  	_ =	strace $0x90000047  }
0x148: {  	s31 =	stileid.u32;
	[bflag:$0x2] =	sbarrier.arrive $0xFFFF  }
0x149: {  	p0 =	sne.s32 s31, $0x0;
	s0 =	rddreg [dreg:$0x2]  }
0x14a: {  	s0 =	sadd.s32 @!p0 $0x100000, s0  }
0x14b: {  	[sflag:s0] =	ssyncadd.tile.s32 @!p0 $0x1;
	_ =	shalt  }
.Lfunc_end1:
_tile_overlayer_lowered:
.L_overlay_start_2:
0x14c: {  	(tag) =	ssettag $0x2  }
0x14d: {  	s0 =	rddreg [dreg:$0x0];
	s2 =	stileid.u32  }
0x14e: {  	s1 =	rddreg [dreg:$0x1];
	p0 =	sne.s32 s2, $0x0  }
0x14f: {  	s3 =	rddreg [dreg:$0x2];
	[bflag:$0x3] =	sbarrier.arrive $0xFFFF;
	s2 =	simm.s32 @!p0 $0x1C01  }
0x150: {  	[timem:s3], [sflag:s2] =	dma.local @!p0 [hbm:s0], s1  }
0x151: {  	s0 =	simm.s32 @!p0 $0x1  }
0x152: {  	_ =	swait.ge @!p0 [sflag:s0], s1  }
0x153: {  	s1 =	ssub.s32 @!p0 $0x0, s1;
	[sflag:s0] =	ssyncset.done @!p0 $0x0  }
0x154: {  	[sflag:s0] =	ssyncadd.s32 @!p0 s1  }
0x155: {  	[bflag:$0x3] =	sbarrier.arrive $0xFFFF  }
0x156: {  	_ =	shalt  }

</sc_bundles>
